<compile_context>
chip_gen: v7x
topology: tpu7x:2x2x1
jax: 0.10.2.dev20260603
libtpu: 0.0.44.dev20260713+nightly
codegen_flags: <defaults>
</compile_context>

<pallas_src>
import functools
import math

import jax
import jax.numpy as jnp
from jax import lax
from jax.experimental import pallas as pl
from jax.experimental.pallas import tpu as pltpu
from jax.experimental.pallas import tpu_sc as plsc

NC = 2
NS = 16
NW = NC * NS

CHUNK = 128
SLOTS = 5


@functools.cache
def _make_gather(b_total, d, scale):
    assert b_total % (NW * CHUNK * SLOTS) == 0
    b_per_w = b_total // NW
    nchunk = b_per_w // CHUNK
    ngroup = nchunk // SLOTS

    mesh = plsc.VectorSubcoreMesh(
        core_axis_name="c", subcore_axis_name="s",
        num_cores=NC, num_subcores=NS,
    )

    @functools.partial(
        pl.kernel,
        out_type=jax.ShapeDtypeStruct((b_total, d), jnp.float32),
        mesh=mesh,
        scratch_types=[
            pltpu.VMEM((nchunk, CHUNK), jnp.int32),
            *[pltpu.VMEM((CHUNK, d), jnp.float32) for _ in range(SLOTS)],
            *[pltpu.SemaphoreType.DMA for _ in range(2 * SLOTS)],
        ],
    )
    def gather_kernel(table_hbm, idx_hbm, out_hbm, idx_all, *bufs_and_sems):
        rows = bufs_and_sems[:SLOTS]
        gsems = bufs_and_sems[SLOTS:2 * SLOTS]
        osems = bufs_and_sems[2 * SLOTS:]

        wid = lax.axis_index("s") * NC + lax.axis_index("c")
        idx_base = wid * nchunk
        out_base = wid * b_per_w

        pltpu.sync_copy(idx_hbm.at[pl.ds(idx_base, nchunk)], idx_all)

        def fire(c, s):
            pltpu.async_copy(table_hbm.at[idx_all.at[c]], rows[s], gsems[s])

        def drain_gather(s):
            pltpu.make_async_copy(
                table_hbm.at[pl.ds(0, CHUNK)], rows[s], gsems[s]).wait()

        def put(c, s):
            pltpu.async_copy(
                rows[s], out_hbm.at[pl.ds(out_base + c * CHUNK, CHUNK)],
                osems[s])

        def wait_put(s):
            pltpu.make_async_copy(
                rows[s], out_hbm.at[pl.ds(out_base, CHUNK)], osems[s]).wait()

        def scale_rows(s):
            rows_v = rows[s]
            lanes = d // 16
            def sbody(r, carry):
                for rr in range(2):
                    for c in range(lanes):
                        sl = (2 * r + rr, pl.ds(c * 16, 16))
                        rows_v[sl] = rows_v[sl] * scale
                return carry
            lax.fori_loop(0, CHUNK // 2, sbody, 0)

        def body(i, carry):
            c0 = SLOTS * i
            for k in range(SLOTS):
                fire(c0 + k, k)
            for k in range(SLOTS):
                drain_gather(k)
            return carry

        lax.fori_loop(0, ngroup, body, 0)
        for s in range(SLOTS):
            put(s, s)
        for s in range(SLOTS):
            wait_put(s)

    return gather_kernel


def kernel(x, table):
    d = table.shape[1]
    b_total = x.size
    scale = math.sqrt(d)
    idx = x.reshape(b_total // CHUNK, CHUNK).astype(jnp.int32)
    out = _make_gather(b_total, d, scale)(table, idx)
    return out.reshape(x.shape + (d,))

# --- scband reference (transcript-rebuilt; emitter-appended) ---
"""Pipeline reference for scband-embedding-43963285241942 (READ-ONLY COPY).

The authoritative reference and input builder live on the scoring server;
editing this copy changes nothing except your own understanding.
"""

import jax, jax.numpy as jnp
import numpy as np

D_MODEL = 128
VOCAB = 100000

def setup_inputs(seed: int = 0) -> dict:
    key = jax.random.key(seed)
    k1, k2 = jax.random.split(key)
    x = jax.random.randint(k1, (4096, 200), 0, VOCAB, dtype=jnp.int64 if jax.config.jax_enable_x64 else jnp.int32)
    table = jax.random.normal(k2, (VOCAB, D_MODEL), dtype=jnp.float32)
    return {"x": x, "table": table}

def reference(x, table):
    out = jnp.take(table, x, axis=0) * np.sqrt(D_MODEL)
    return out

if __name__ == "__main__":
    import jax
    _d = setup_inputs()
    print(jax.jit(kernel)(*tuple(_d.values())))

</pallas_src>

<mosaic_0001>
#map = affine_map<(d0, d1) -> (0, 0)>
module attributes {stable_mosaic.version = 14 : i64} {
  func.func @gather_kernel(%arg0: i32, %arg1: i32, %arg2: memref<100000x128xf32, #tpu.memory_space<hbm>>, %arg3: memref<6400x128xi32, #tpu.memory_space<hbm>>, %arg4: memref<819200x128xf32, #tpu.memory_space<hbm>>, %arg5: memref<200x128xi32, #tpu.memory_space<vmem>>, %arg6: memref<128x128xf32, #tpu.memory_space<vmem>>, %arg7: memref<128x128xf32, #tpu.memory_space<vmem>>, %arg8: memref<128x128xf32, #tpu.memory_space<vmem>>, %arg9: memref<128x128xf32, #tpu.memory_space<vmem>>, %arg10: memref<128x128xf32, #tpu.memory_space<vmem>>, %arg11: memref<!tpu.dma_semaphore, #tpu.memory_space<semaphore_mem>>, %arg12: memref<!tpu.dma_semaphore, #tpu.memory_space<semaphore_mem>>, %arg13: memref<!tpu.dma_semaphore, #tpu.memory_space<semaphore_mem>>, %arg14: memref<!tpu.dma_semaphore, #tpu.memory_space<semaphore_mem>>, %arg15: memref<!tpu.dma_semaphore, #tpu.memory_space<semaphore_mem>>, %arg16: memref<!tpu.dma_semaphore, #tpu.memory_space<semaphore_mem>>, %arg17: memref<!tpu.dma_semaphore, #tpu.memory_space<semaphore_mem>>, %arg18: memref<!tpu.dma_semaphore, #tpu.memory_space<semaphore_mem>>, %arg19: memref<!tpu.dma_semaphore, #tpu.memory_space<semaphore_mem>>, %arg20: memref<!tpu.dma_semaphore, #tpu.memory_space<semaphore_mem>>) attributes {dimension_semantics = [#tpu.dimension_semantics<core_parallel>, #tpu.dimension_semantics<subcore_parallel>], iteration_bounds = array<i64: 2, 16>, scalar_prefetch = 0 : i64, scratch_operands = 16 : i64, tpu.core_type = #tpu.core_type<sc_vector_subcore>, window_params = [{transform_indices = #map}, {transform_indices = #map}, {transform_indices = #map}]} {
    %mul3A = arith.constant 2 : i32
    %mul3A_0 = arith.muli %arg1, %mul3A : i32
    %add3A = arith.addi %mul3A_0, %arg0 : i32
    %mul3A_1 = arith.constant 200 : i32
    %mul3A_2 = arith.muli %add3A, %mul3A_1 : i32
    %mul3A_3 = arith.constant 25600 : i32
    %mul3A_4 = arith.muli %add3A, %mul3A_3 : i32
    "tpu.region"() ({
      %run_scoped3A = tpu.sem_alloc : memref<!tpu.dma_semaphore, #tpu.memory_space<semaphore_mem>>
      %dma_start3A_58 = arith.constant 0 : i32
      %dma_start3A_59 = tpu.memref_slice %arg3[%mul3A_2, %dma_start3A_58] : memref<6400x128xi32, #tpu.memory_space<hbm>> -> memref<200x128xi32, #tpu.memory_space<hbm>>
      %dma_start3A_60 = arith.constant 0 : i32
      %dma_start3A_61 = tpu.memref_slice %arg3[%mul3A_2, %dma_start3A_60] : memref<6400x128xi32, #tpu.memory_space<hbm>> -> memref<200x128xi32, #tpu.memory_space<hbm>>
      tpu.enqueue_dma source(%dma_start3A_61 : memref<200x128xi32, #tpu.memory_space<hbm>>) target(%arg5 : memref<200x128xi32, #tpu.memory_space<vmem>>) target_semaphore(%run_scoped3A : memref<!tpu.dma_semaphore, #tpu.memory_space<semaphore_mem>>)
      %dma_wait3A_62 = arith.constant 0 : i32
      %dma_wait3A_63 = tpu.memref_slice %arg3[%mul3A_2, %dma_wait3A_62] : memref<6400x128xi32, #tpu.memory_space<hbm>> -> memref<200x128xi32, #tpu.memory_space<hbm>>
      %dma_wait3A_64 = arith.constant 0 : i32
      %dma_wait3A_65 = tpu.memref_slice %arg3[%mul3A_2, %dma_wait3A_64] : memref<6400x128xi32, #tpu.memory_space<hbm>> -> memref<200x128xi32, #tpu.memory_space<hbm>>
      tpu.wait_dma2 semaphore(%run_scoped3A : memref<!tpu.dma_semaphore, #tpu.memory_space<semaphore_mem>>) src(%dma_wait3A_65 : memref<200x128xi32, #tpu.memory_space<hbm>>) dst(%arg5 : memref<200x128xi32, #tpu.memory_space<vmem>>)
      tpu.yield
    }) : () -> ()
    %scan3A = arith.constant 0 : i32
    %scan3A_5 = arith.constant 0 : i32
    %scan3A_6 = arith.constant 40 : i32
    %scan3A_7 = arith.addi %scan3A_5, %scan3A_6 : i32
    %scan3A_8 = arith.constant 1 : i32
    scf.for %scan3A_58 = %scan3A_5 to %scan3A_7 step %scan3A_8  : i32 {
      %mul3A_59 = arith.constant 5 : i32
      %mul3A_60 = arith.muli %mul3A_59, %scan3A_58 : i32
      %add3A_61 = arith.constant 0 : i32
      %add3A_62 = arith.addi %mul3A_60, %add3A_61 : i32
      %dma_start3A_63 = arith.constant 0 : i32
      %dma_start3A_64 = tpu.memref_slice %arg5[%add3A_62, %dma_start3A_63] : memref<200x128xi32, #tpu.memory_space<vmem>> -> memref<1x128xi32, #tpu.memory_space<vmem>>
      %dma_start3A_65 = tpu.memref_squeeze %dma_start3A_64 : memref<1x128xi32, #tpu.memory_space<vmem>> -> memref<128xi32, #tpu.memory_space<vmem>>
      %dma_start3A_66 = arith.constant 0 : i32
      %dma_start3A_67 = arith.constant 0 : i32
      %dma_start3A_68 = tpu.memref_slice %arg2[%dma_start3A_66, %dma_start3A_67] : memref<100000x128xf32, #tpu.memory_space<hbm>> -> memref<100000x128xf32, #tpu.memory_space<hbm>>
      tpu.enqueue_indirect_dma source(%dma_start3A_68 : memref<100000x128xf32, #tpu.memory_space<hbm>>) target(%arg6 : memref<128x128xf32, #tpu.memory_space<vmem>>) offsets(%dma_start3A_65 : memref<128xi32, #tpu.memory_space<vmem>>) semaphore(%arg11 : memref<!tpu.dma_semaphore, #tpu.memory_space<semaphore_mem>>)
      %add3A_69 = arith.constant 1 : i32
      %add3A_70 = arith.addi %mul3A_60, %add3A_69 : i32
      %dma_start3A_71 = arith.constant 0 : i32
      %dma_start3A_72 = tpu.memref_slice %arg5[%add3A_70, %dma_start3A_71] : memref<200x128xi32, #tpu.memory_space<vmem>> -> memref<1x128xi32, #tpu.memory_space<vmem>>
      %dma_start3A_73 = tpu.memref_squeeze %dma_start3A_72 : memref<1x128xi32, #tpu.memory_space<vmem>> -> memref<128xi32, #tpu.memory_space<vmem>>
      %dma_start3A_74 = arith.constant 0 : i32
      %dma_start3A_75 = arith.constant 0 : i32
      %dma_start3A_76 = tpu.memref_slice %arg2[%dma_start3A_74, %dma_start3A_75] : memref<100000x128xf32, #tpu.memory_space<hbm>> -> memref<100000x128xf32, #tpu.memory_space<hbm>>
      tpu.enqueue_indirect_dma source(%dma_start3A_76 : memref<100000x128xf32, #tpu.memory_space<hbm>>) target(%arg7 : memref<128x128xf32, #tpu.memory_space<vmem>>) offsets(%dma_start3A_73 : memref<128xi32, #tpu.memory_space<vmem>>) semaphore(%arg12 : memref<!tpu.dma_semaphore, #tpu.memory_space<semaphore_mem>>)
      %add3A_77 = arith.constant 2 : i32
      %add3A_78 = arith.addi %mul3A_60, %add3A_77 : i32
      %dma_start3A_79 = arith.constant 0 : i32
      %dma_start3A_80 = tpu.memref_slice %arg5[%add3A_78, %dma_start3A_79] : memref<200x128xi32, #tpu.memory_space<vmem>> -> memref<1x128xi32, #tpu.memory_space<vmem>>
      %dma_start3A_81 = tpu.memref_squeeze %dma_start3A_80 : memref<1x128xi32, #tpu.memory_space<vmem>> -> memref<128xi32, #tpu.memory_space<vmem>>
      %dma_start3A_82 = arith.constant 0 : i32
      %dma_start3A_83 = arith.constant 0 : i32
      %dma_start3A_84 = tpu.memref_slice %arg2[%dma_start3A_82, %dma_start3A_83] : memref<100000x128xf32, #tpu.memory_space<hbm>> -> memref<100000x128xf32, #tpu.memory_space<hbm>>
      tpu.enqueue_indirect_dma source(%dma_start3A_84 : memref<100000x128xf32, #tpu.memory_space<hbm>>) target(%arg8 : memref<128x128xf32, #tpu.memory_space<vmem>>) offsets(%dma_start3A_81 : memref<128xi32, #tpu.memory_space<vmem>>) semaphore(%arg13 : memref<!tpu.dma_semaphore, #tpu.memory_space<semaphore_mem>>)
      %add3A_85 = arith.constant 3 : i32
      %add3A_86 = arith.addi %mul3A_60, %add3A_85 : i32
      %dma_start3A_87 = arith.constant 0 : i32
      %dma_start3A_88 = tpu.memref_slice %arg5[%add3A_86, %dma_start3A_87] : memref<200x128xi32, #tpu.memory_space<vmem>> -> memref<1x128xi32, #tpu.memory_space<vmem>>
      %dma_start3A_89 = tpu.memref_squeeze %dma_start3A_88 : memref<1x128xi32, #tpu.memory_space<vmem>> -> memref<128xi32, #tpu.memory_space<vmem>>
      %dma_start3A_90 = arith.constant 0 : i32
      %dma_start3A_91 = arith.constant 0 : i32
      %dma_start3A_92 = tpu.memref_slice %arg2[%dma_start3A_90, %dma_start3A_91] : memref<100000x128xf32, #tpu.memory_space<hbm>> -> memref<100000x128xf32, #tpu.memory_space<hbm>>
      tpu.enqueue_indirect_dma source(%dma_start3A_92 : memref<100000x128xf32, #tpu.memory_space<hbm>>) target(%arg9 : memref<128x128xf32, #tpu.memory_space<vmem>>) offsets(%dma_start3A_89 : memref<128xi32, #tpu.memory_space<vmem>>) semaphore(%arg14 : memref<!tpu.dma_semaphore, #tpu.memory_space<semaphore_mem>>)
      %add3A_93 = arith.constant 4 : i32
      %add3A_94 = arith.addi %mul3A_60, %add3A_93 : i32
      %dma_start3A_95 = arith.constant 0 : i32
      %dma_start3A_96 = tpu.memref_slice %arg5[%add3A_94, %dma_start3A_95] : memref<200x128xi32, #tpu.memory_space<vmem>> -> memref<1x128xi32, #tpu.memory_space<vmem>>
      %dma_start3A_97 = tpu.memref_squeeze %dma_start3A_96 : memref<1x128xi32, #tpu.memory_space<vmem>> -> memref<128xi32, #tpu.memory_space<vmem>>
      %dma_start3A_98 = arith.constant 0 : i32
      %dma_start3A_99 = arith.constant 0 : i32
      %dma_start3A_100 = tpu.memref_slice %arg2[%dma_start3A_98, %dma_start3A_99] : memref<100000x128xf32, #tpu.memory_space<hbm>> -> memref<100000x128xf32, #tpu.memory_space<hbm>>
      tpu.enqueue_indirect_dma source(%dma_start3A_100 : memref<100000x128xf32, #tpu.memory_space<hbm>>) target(%arg10 : memref<128x128xf32, #tpu.memory_space<vmem>>) offsets(%dma_start3A_97 : memref<128xi32, #tpu.memory_space<vmem>>) semaphore(%arg15 : memref<!tpu.dma_semaphore, #tpu.memory_space<semaphore_mem>>)
      %dma_wait3A_101 = arith.constant 0 : i32
      %dma_wait3A_102 = arith.constant 0 : i32
      %dma_wait3A_103 = tpu.memref_slice %arg2[%dma_wait3A_101, %dma_wait3A_102] : memref<100000x128xf32, #tpu.memory_space<hbm>> -> memref<128x128xf32, #tpu.memory_space<hbm>>
      %dma_wait3A_104 = arith.constant 0 : i32
      %dma_wait3A_105 = arith.constant 0 : i32
      %dma_wait3A_106 = tpu.memref_slice %arg2[%dma_wait3A_104, %dma_wait3A_105] : memref<100000x128xf32, #tpu.memory_space<hbm>> -> memref<128x128xf32, #tpu.memory_space<hbm>>
      tpu.wait_dma2 semaphore(%arg11 : memref<!tpu.dma_semaphore, #tpu.memory_space<semaphore_mem>>) src(%dma_wait3A_106 : memref<128x128xf32, #tpu.memory_space<hbm>>) dst(%arg6 : memref<128x128xf32, #tpu.memory_space<vmem>>)
      %dma_wait3A_107 = arith.constant 0 : i32
      %dma_wait3A_108 = arith.constant 0 : i32
      %dma_wait3A_109 = tpu.memref_slice %arg2[%dma_wait3A_107, %dma_wait3A_108] : memref<100000x128xf32, #tpu.memory_space<hbm>> -> memref<128x128xf32, #tpu.memory_space<hbm>>
      %dma_wait3A_110 = arith.constant 0 : i32
      %dma_wait3A_111 = arith.constant 0 : i32
      %dma_wait3A_112 = tpu.memref_slice %arg2[%dma_wait3A_110, %dma_wait3A_111] : memref<100000x128xf32, #tpu.memory_space<hbm>> -> memref<128x128xf32, #tpu.memory_space<hbm>>
      tpu.wait_dma2 semaphore(%arg12 : memref<!tpu.dma_semaphore, #tpu.memory_space<semaphore_mem>>) src(%dma_wait3A_112 : memref<128x128xf32, #tpu.memory_space<hbm>>) dst(%arg7 : memref<128x128xf32, #tpu.memory_space<vmem>>)
      %dma_wait3A_113 = arith.constant 0 : i32
      %dma_wait3A_114 = arith.constant 0 : i32
      %dma_wait3A_115 = tpu.memref_slice %arg2[%dma_wait3A_113, %dma_wait3A_114] : memref<100000x128xf32, #tpu.memory_space<hbm>> -> memref<128x128xf32, #tpu.memory_space<hbm>>
      %dma_wait3A_116 = arith.constant 0 : i32
      %dma_wait3A_117 = arith.constant 0 : i32
      %dma_wait3A_118 = tpu.memref_slice %arg2[%dma_wait3A_116, %dma_wait3A_117] : memref<100000x128xf32, #tpu.memory_space<hbm>> -> memref<128x128xf32, #tpu.memory_space<hbm>>
      tpu.wait_dma2 semaphore(%arg13 : memref<!tpu.dma_semaphore, #tpu.memory_space<semaphore_mem>>) src(%dma_wait3A_118 : memref<128x128xf32, #tpu.memory_space<hbm>>) dst(%arg8 : memref<128x128xf32, #tpu.memory_space<vmem>>)
      %dma_wait3A_119 = arith.constant 0 : i32
      %dma_wait3A_120 = arith.constant 0 : i32
      %dma_wait3A_121 = tpu.memref_slice %arg2[%dma_wait3A_119, %dma_wait3A_120] : memref<100000x128xf32, #tpu.memory_space<hbm>> -> memref<128x128xf32, #tpu.memory_space<hbm>>
      %dma_wait3A_122 = arith.constant 0 : i32
      %dma_wait3A_123 = arith.constant 0 : i32
      %dma_wait3A_124 = tpu.memref_slice %arg2[%dma_wait3A_122, %dma_wait3A_123] : memref<100000x128xf32, #tpu.memory_space<hbm>> -> memref<128x128xf32, #tpu.memory_space<hbm>>
      tpu.wait_dma2 semaphore(%arg14 : memref<!tpu.dma_semaphore, #tpu.memory_space<semaphore_mem>>) src(%dma_wait3A_124 : memref<128x128xf32, #tpu.memory_space<hbm>>) dst(%arg9 : memref<128x128xf32, #tpu.memory_space<vmem>>)
      %dma_wait3A_125 = arith.constant 0 : i32
      %dma_wait3A_126 = arith.constant 0 : i32
      %dma_wait3A_127 = tpu.memref_slice %arg2[%dma_wait3A_125, %dma_wait3A_126] : memref<100000x128xf32, #tpu.memory_space<hbm>> -> memref<128x128xf32, #tpu.memory_space<hbm>>
      %dma_wait3A_128 = arith.constant 0 : i32
      %dma_wait3A_129 = arith.constant 0 : i32
      %dma_wait3A_130 = tpu.memref_slice %arg2[%dma_wait3A_128, %dma_wait3A_129] : memref<100000x128xf32, #tpu.memory_space<hbm>> -> memref<128x128xf32, #tpu.memory_space<hbm>>
      tpu.wait_dma2 semaphore(%arg15 : memref<!tpu.dma_semaphore, #tpu.memory_space<semaphore_mem>>) src(%dma_wait3A_130 : memref<128x128xf32, #tpu.memory_space<hbm>>) dst(%arg10 : memref<128x128xf32, #tpu.memory_space<vmem>>)
    }
    %scan3A_9 = arith.constant 40 : i32
    %add3A_10 = arith.constant 0 : i32
    %add3A_11 = arith.addi %mul3A_4, %add3A_10 : i32
    %dma_start3A = arith.constant 0 : i32
    %dma_start3A_12 = tpu.memref_slice %arg4[%add3A_11, %dma_start3A] : memref<819200x128xf32, #tpu.memory_space<hbm>> -> memref<128x128xf32, #tpu.memory_space<hbm>>
    %dma_start3A_13 = arith.constant 0 : i32
    %dma_start3A_14 = tpu.memref_slice %arg4[%add3A_11, %dma_start3A_13] : memref<819200x128xf32, #tpu.memory_space<hbm>> -> memref<128x128xf32, #tpu.memory_space<hbm>>
    tpu.enqueue_dma source(%arg6 : memref<128x128xf32, #tpu.memory_space<vmem>>) target(%dma_start3A_14 : memref<128x128xf32, #tpu.memory_space<hbm>>) target_semaphore(%arg16 : memref<!tpu.dma_semaphore, #tpu.memory_space<semaphore_mem>>)
    %add3A_15 = arith.constant 128 : i32
    %add3A_16 = arith.addi %mul3A_4, %add3A_15 : i32
    %dma_start3A_17 = arith.constant 0 : i32
    %dma_start3A_18 = tpu.memref_slice %arg4[%add3A_16, %dma_start3A_17] : memref<819200x128xf32, #tpu.memory_space<hbm>> -> memref<128x128xf32, #tpu.memory_space<hbm>>
    %dma_start3A_19 = arith.constant 0 : i32
    %dma_start3A_20 = tpu.memref_slice %arg4[%add3A_16, %dma_start3A_19] : memref<819200x128xf32, #tpu.memory_space<hbm>> -> memref<128x128xf32, #tpu.memory_space<hbm>>
    tpu.enqueue_dma source(%arg7 : memref<128x128xf32, #tpu.memory_space<vmem>>) target(%dma_start3A_20 : memref<128x128xf32, #tpu.memory_space<hbm>>) target_semaphore(%arg17 : memref<!tpu.dma_semaphore, #tpu.memory_space<semaphore_mem>>)
    %add3A_21 = arith.constant 256 : i32
    %add3A_22 = arith.addi %mul3A_4, %add3A_21 : i32
    %dma_start3A_23 = arith.constant 0 : i32
    %dma_start3A_24 = tpu.memref_slice %arg4[%add3A_22, %dma_start3A_23] : memref<819200x128xf32, #tpu.memory_space<hbm>> -> memref<128x128xf32, #tpu.memory_space<hbm>>
    %dma_start3A_25 = arith.constant 0 : i32
    %dma_start3A_26 = tpu.memref_slice %arg4[%add3A_22, %dma_start3A_25] : memref<819200x128xf32, #tpu.memory_space<hbm>> -> memref<128x128xf32, #tpu.memory_space<hbm>>
    tpu.enqueue_dma source(%arg8 : memref<128x128xf32, #tpu.memory_space<vmem>>) target(%dma_start3A_26 : memref<128x128xf32, #tpu.memory_space<hbm>>) target_semaphore(%arg18 : memref<!tpu.dma_semaphore, #tpu.memory_space<semaphore_mem>>)
    %add3A_27 = arith.constant 384 : i32
    %add3A_28 = arith.addi %mul3A_4, %add3A_27 : i32
    %dma_start3A_29 = arith.constant 0 : i32
    %dma_start3A_30 = tpu.memref_slice %arg4[%add3A_28, %dma_start3A_29] : memref<819200x128xf32, #tpu.memory_space<hbm>> -> memref<128x128xf32, #tpu.memory_space<hbm>>
    %dma_start3A_31 = arith.constant 0 : i32
    %dma_start3A_32 = tpu.memref_slice %arg4[%add3A_28, %dma_start3A_31] : memref<819200x128xf32, #tpu.memory_space<hbm>> -> memref<128x128xf32, #tpu.memory_space<hbm>>
    tpu.enqueue_dma source(%arg9 : memref<128x128xf32, #tpu.memory_space<vmem>>) target(%dma_start3A_32 : memref<128x128xf32, #tpu.memory_space<hbm>>) target_semaphore(%arg19 : memref<!tpu.dma_semaphore, #tpu.memory_space<semaphore_mem>>)
    %add3A_33 = arith.constant 512 : i32
    %add3A_34 = arith.addi %mul3A_4, %add3A_33 : i32
    %dma_start3A_35 = arith.constant 0 : i32
    %dma_start3A_36 = tpu.memref_slice %arg4[%add3A_34, %dma_start3A_35] : memref<819200x128xf32, #tpu.memory_space<hbm>> -> memref<128x128xf32, #tpu.memory_space<hbm>>
    %dma_start3A_37 = arith.constant 0 : i32
    %dma_start3A_38 = tpu.memref_slice %arg4[%add3A_34, %dma_start3A_37] : memref<819200x128xf32, #tpu.memory_space<hbm>> -> memref<128x128xf32, #tpu.memory_space<hbm>>
    tpu.enqueue_dma source(%arg10 : memref<128x128xf32, #tpu.memory_space<vmem>>) target(%dma_start3A_38 : memref<128x128xf32, #tpu.memory_space<hbm>>) target_semaphore(%arg20 : memref<!tpu.dma_semaphore, #tpu.memory_space<semaphore_mem>>)
    %dma_wait3A = arith.constant 0 : i32
    %dma_wait3A_39 = tpu.memref_slice %arg4[%mul3A_4, %dma_wait3A] : memref<819200x128xf32, #tpu.memory_space<hbm>> -> memref<128x128xf32, #tpu.memory_space<hbm>>
    %dma_wait3A_40 = arith.constant 0 : i32
    %dma_wait3A_41 = tpu.memref_slice %arg4[%mul3A_4, %dma_wait3A_40] : memref<819200x128xf32, #tpu.memory_space<hbm>> -> memref<128x128xf32, #tpu.memory_space<hbm>>
    tpu.wait_dma2 semaphore(%arg16 : memref<!tpu.dma_semaphore, #tpu.memory_space<semaphore_mem>>) src(%arg6 : memref<128x128xf32, #tpu.memory_space<vmem>>) dst(%dma_wait3A_41 : memref<128x128xf32, #tpu.memory_space<hbm>>)
    %dma_wait3A_42 = arith.constant 0 : i32
    %dma_wait3A_43 = tpu.memref_slice %arg4[%mul3A_4, %dma_wait3A_42] : memref<819200x128xf32, #tpu.memory_space<hbm>> -> memref<128x128xf32, #tpu.memory_space<hbm>>
    %dma_wait3A_44 = arith.constant 0 : i32
    %dma_wait3A_45 = tpu.memref_slice %arg4[%mul3A_4, %dma_wait3A_44] : memref<819200x128xf32, #tpu.memory_space<hbm>> -> memref<128x128xf32, #tpu.memory_space<hbm>>
    tpu.wait_dma2 semaphore(%arg17 : memref<!tpu.dma_semaphore, #tpu.memory_space<semaphore_mem>>) src(%arg7 : memref<128x128xf32, #tpu.memory_space<vmem>>) dst(%dma_wait3A_45 : memref<128x128xf32, #tpu.memory_space<hbm>>)
    %dma_wait3A_46 = arith.constant 0 : i32
    %dma_wait3A_47 = tpu.memref_slice %arg4[%mul3A_4, %dma_wait3A_46] : memref<819200x128xf32, #tpu.memory_space<hbm>> -> memref<128x128xf32, #tpu.memory_space<hbm>>
    %dma_wait3A_48 = arith.constant 0 : i32
    %dma_wait3A_49 = tpu.memref_slice %arg4[%mul3A_4, %dma_wait3A_48] : memref<819200x128xf32, #tpu.memory_space<hbm>> -> memref<128x128xf32, #tpu.memory_space<hbm>>
    tpu.wait_dma2 semaphore(%arg18 : memref<!tpu.dma_semaphore, #tpu.memory_space<semaphore_mem>>) src(%arg8 : memref<128x128xf32, #tpu.memory_space<vmem>>) dst(%dma_wait3A_49 : memref<128x128xf32, #tpu.memory_space<hbm>>)
    %dma_wait3A_50 = arith.constant 0 : i32
    %dma_wait3A_51 = tpu.memref_slice %arg4[%mul3A_4, %dma_wait3A_50] : memref<819200x128xf32, #tpu.memory_space<hbm>> -> memref<128x128xf32, #tpu.memory_space<hbm>>
    %dma_wait3A_52 = arith.constant 0 : i32
    %dma_wait3A_53 = tpu.memref_slice %arg4[%mul3A_4, %dma_wait3A_52] : memref<819200x128xf32, #tpu.memory_space<hbm>> -> memref<128x128xf32, #tpu.memory_space<hbm>>
    tpu.wait_dma2 semaphore(%arg19 : memref<!tpu.dma_semaphore, #tpu.memory_space<semaphore_mem>>) src(%arg9 : memref<128x128xf32, #tpu.memory_space<vmem>>) dst(%dma_wait3A_53 : memref<128x128xf32, #tpu.memory_space<hbm>>)
    %dma_wait3A_54 = arith.constant 0 : i32
    %dma_wait3A_55 = tpu.memref_slice %arg4[%mul3A_4, %dma_wait3A_54] : memref<819200x128xf32, #tpu.memory_space<hbm>> -> memref<128x128xf32, #tpu.memory_space<hbm>>
    %dma_wait3A_56 = arith.constant 0 : i32
    %dma_wait3A_57 = tpu.memref_slice %arg4[%mul3A_4, %dma_wait3A_56] : memref<819200x128xf32, #tpu.memory_space<hbm>> -> memref<128x128xf32, #tpu.memory_space<hbm>>
    tpu.wait_dma2 semaphore(%arg20 : memref<!tpu.dma_semaphore, #tpu.memory_space<semaphore_mem>>) src(%arg10 : memref<128x128xf32, #tpu.memory_space<vmem>>) dst(%dma_wait3A_57 : memref<128x128xf32, #tpu.memory_space<hbm>>)
    return
  }
}

</mosaic_0001>

<sc_bundles>
// kernel: kernel.3.cloned.1.call-start
scs
__scs_entry_jumppad:
0x0: {  	(pc) =	sbr.rel $0x88, $3  }
0x1: {  	(tag) =	ssettag $0x0;
	lr =	simm.s32 $0x1  }
0x2: {  	[smem:$0x3F9F] =	sst lr;
	_ =	strace $0xD0000000  }
0x3: {  	_ = 	snop  }
0x4: {  	_ = 	snop  }
0x5: {  	_ = 	snop  }
0x6: {  	_ = 	snop  }
0x7: {  	_ = 	snop  }
__scs_overlays_trampoline_lowered:
0x8: {  	[smem:$0x3FAE] =	sst s0  }
0x9: {  	[smem:$0x3FAF] =	sst s1  }
0xa: {  	[smem:$0x3FB0] =	sst s2  }
0xb: {  	[smem:$0x3FB1] =	sst s3  }
0xc: {  	[smem:$0x3FB2] =	sst s4  }
0xd: {  	[smem:$0x3FB3] =	sst s5  }
0xe: {  	[smem:$0x3FB4] =	sst s6  }
0xf: {  	[smem:$0x3FB5] =	sst s7  }
0x10: {  	[smem:$0x3FB6] =	sst s8  }
0x11: {  	[smem:$0x3FB7] =	sst s9;
	s0 =	simm.s32 @!p0 $0x0  }
0x12: {  	s1 =	sld [smem:$0x3F9D];
	s0 =	simm.s32 @p0 $0x1  }
0x13: {  	[smem:$0x3FB8] =	sst s0;
	s0 =	simm.s32 @!p1 $0x0  }
0x14: {  	s2 =	sld [smem:$0x3F9C];
	s0 =	simm.s32 @p1 $0x1  }
0x15: {  	[smem:$0x3FB9] =	sst s0;
	s0 =	simm.s32 @!p2 $0x0  }
0x16: {  	s3 =	sld [smem:$0x3FDB];
	s0 =	simm.s32 @p2 $0x1  }
0x17: {  	s4 =	simm.s32 $0x1BF5;
	[smem:$0x3FBB] =	sst s0  }
0x18: {  	s0 =	sld [smem:$0x3F9E];
	_ =	swait.ge [sflag:s4], $0x0  }
0x19: {  	s7 =	sld [smem:$0x3F9F]  }
0x1a: {  	s8 =	sadd.s32 $0xFFFFE003, lr  }
0x1b: {  	s9 =	sadd.s32 $0xFFFFFEF7, lr;
	s5 =	simm.s32 $0xFFFFFFFF;
	p2 =	slt.u32 s8, $0xFFFFF086  }
0x1c: {  	p1 =	slt.u32 s9, $0xF7A;
	s5 =	simm.s32 @!p2 $0x0  }
0x1d: {  	s5 =	simm.s32 @p1 $0x1;
	p0 =	seq.s32 s7, s2  }
0x1e: {  	s7 =	smul.u32 @!p0 $0xF7A, s2;
	p2 =	seq.s32 @!p0 s5, $0x0  }
0x1f: {  	s9 =	smul.u32 $0xF7A, s1;
	s8 =	simm.s32 @!p0 $0x1BF5;
	p2 =	por !p2, p0  }
0x20: {  	[sflag:s8] =	ssyncset.s32 @!p0 $0xFFFFF086;
	s6 =	sadd.s32 @!p0 s3, s7;
	s7 =	simm.s32 @!p0 $0x108  }
0x21: {  	s3 =	sadd.s32 s3, s9;
	s6 =	sadd.s32 @!p0 $0x88, s6;
	s7 =	simm.s32 @p2 $0x1082  }
0x22: {  	[simem:s7], [sflag:s8] =	dma.local @!p0 [hbm:s6], $0xF7A  }
0x23: {  	s9 =	sor.u32 $0xD0000000, s2;
	s6 =	simm.s32 $0x108;
	_ =	swait.ge @!p0 [sflag:s8], $0x0  }
0x24: {  	s3 =	sadd.s32 $0x88, s3;
	s6 =	simm.s32 @!p1 $0x1082;
	[sflag:s4] =	ssyncset.s32 $0xFFFFF086  }
0x25: {  	[simem:s6], [sflag:s4] =	dma.local [hbm:s3], $0xF7A  }
0x26: {  	[smem:$0x3F9F] =	sst s1;
	(tag) =	ssettag s2;
	_ =	strace s9  }
0x27: {  	s1 =	sld [smem:$0x3FAF]  }
0x28: {  	s2 =	sld [smem:$0x3FB0]  }
0x29: {  	s4 =	sld [smem:$0x3FB2]  }
0x2a: {  	p0 =	seq.s32 s5, $0x0;
	s5 =	sld [smem:$0x3FB3]  }
0x2b: {  	s6 =	sld [smem:$0x3FB4]  }
0x2c: {  	s7 =	sld [smem:$0x3FB5]  }
0x2d: {  	s3 =	simm.s32 $0x108;
	s8 =	sld [smem:$0x3FB6]  }
0x2e: {  	s3 =	simm.s32 @!p0 $0x1082;
	s9 =	sld [smem:$0x3FB7]  }
0x2f: {  	lr =	sadd.s32 s0, s3;
	s0 =	sld [smem:$0x3FAE]  }
0x30: {  	s3 =	sld [smem:$0x3FB1]  }
0x31: {  	[smem:$0x3FBA] =	sst s10  }
0x32: {  	s10 =	sld [smem:$0x3FB8];
	_ =	sdelay $0x3  }
0x33: {  	p0 =	seq.s32 s10, $0x1;
	s10 =	sld [smem:$0x3FBA];
	_ =	sdelay $0x3  }
0x34: {  	[smem:$0x3FBA] =	sst s10  }
0x35: {  	s10 =	sld [smem:$0x3FB9];
	_ =	sdelay $0x3  }
0x36: {  	p1 =	seq.s32 s10, $0x1;
	s10 =	sld [smem:$0x3FBA];
	_ =	sdelay $0x3  }
0x37: {  	[smem:$0x3FBA] =	sst s10  }
0x38: {  	s10 =	sld [smem:$0x3FBB]  }
0x39: {  	_ = 	snop;
	(pc) =	sbr.ind lr, $3  }
0x3a: {  	_ = 	snop  }
0x3b: {  	_ = 	snop  }
0x3c: {  	p2 =	seq.s32 s10, $0x1;
	s10 =	sld [smem:$0x3FBA]  }
0x3d: {  	_ =	shalt  }
0x3e: {  	_ =	shalt  }
0x3f: {  	_ =	shalt  }
0x40: {  	_ =	shalt  }
0x41: {  	_ =	shalt  }
0x42: {  	_ =	shalt  }
0x43: {  	_ =	shalt  }
0x44: {  	_ =	shalt  }
0x45: {  	_ =	shalt  }
0x46: {  	_ =	shalt  }
0x47: {  	_ =	shalt  }
0x48: {  	_ =	shalt  }
0x49: {  	_ =	shalt  }
0x4a: {  	_ =	shalt  }
0x4b: {  	_ =	shalt  }
0x4c: {  	_ =	shalt  }
0x4d: {  	_ =	shalt  }
0x4e: {  	_ =	shalt  }
0x4f: {  	_ =	shalt  }
0x50: {  	_ =	shalt  }
0x51: {  	_ =	shalt  }
0x52: {  	_ =	shalt  }
0x53: {  	_ =	shalt  }
0x54: {  	_ =	shalt  }
0x55: {  	_ =	shalt  }
0x56: {  	_ =	shalt  }
0x57: {  	_ =	shalt  }
0x58: {  	_ =	shalt  }
0x59: {  	_ =	shalt  }
0x5a: {  	_ =	shalt  }
0x5b: {  	_ =	shalt  }
0x5c: {  	_ =	shalt  }
0x5d: {  	_ =	shalt  }
0x5e: {  	_ =	shalt  }
0x5f: {  	_ =	shalt  }
0x60: {  	_ =	shalt  }
0x61: {  	_ =	shalt  }
0x62: {  	_ =	shalt  }
0x63: {  	_ =	shalt  }
0x64: {  	_ =	shalt  }
0x65: {  	_ =	shalt  }
0x66: {  	_ =	shalt  }
0x67: {  	_ =	shalt  }
0x68: {  	_ =	shalt  }
0x69: {  	_ =	shalt  }
0x6a: {  	_ =	shalt  }
0x6b: {  	_ =	shalt  }
0x6c: {  	_ =	shalt  }
0x6d: {  	_ =	shalt  }
0x6e: {  	_ =	shalt  }
0x6f: {  	_ =	shalt  }
0x70: {  	_ =	shalt  }
0x71: {  	_ =	shalt  }
0x72: {  	_ =	shalt  }
0x73: {  	_ =	shalt  }
0x74: {  	_ =	shalt  }
0x75: {  	_ =	shalt  }
0x76: {  	_ =	shalt  }
0x77: {  	_ =	shalt  }
0x78: {  	_ =	shalt  }
0x79: {  	_ =	shalt  }
0x7a: {  	_ =	shalt  }
0x7b: {  	_ =	shalt  }
0x7c: {  	_ =	shalt  }
0x7d: {  	_ =	shalt  }
0x7e: {  	_ =	shalt  }
0x7f: {  	_ =	shalt  }
0x80: {  	_ =	shalt  }
0x81: {  	_ =	shalt  }
0x82: {  	_ =	shalt  }
0x83: {  	_ =	shalt  }
0x84: {  	_ =	shalt  }
0x85: {  	_ =	shalt  }
0x86: {  	_ =	shalt  }
0x87: {  	_ =	shalt  }
.Lfunc_end0:
.L_simem_size_0:
called_computation_lowered:
.L_overlay_start_0:
0x88: {  	s2 =	sld [smem:$0x3FD9]  }
0x89: {  	s3 =	sld [smem:$0x3FFE];
	_ =	sdelay $0x1  }
0x8a: {  	s1 =	srdreg.scid  }
0x8b: {  	s0 =	sand.u32 $0x1, s1  }
0x8c: {  	s17 =	sshll.u32 s0, $0xA;
	s2 =	sadd.s32 s3, s2  }
0x8d: {  	s2 =	sadd.s32 s2, s17  }
0x8e: {  	[smem:$0x3FC6] =	sst s2  }
0x8f: {  	_ = 	snop  }
0x90: {  	s2 =	sld [smem:$0x3FC8]  }
0x91: {  	s18 =	sld [smem:$0x3FD0];
	(tm) =	ssettm $0x1  }
0x92: {  	s4 =	sld [smem:$0x3FFB];
	_ =	sdelay $0x3  }
0x93: {  	_ =	strace s4  }
0x94: {  	s4 =	sld [smem:$0x3FFC];
	_ =	sdelay $0x3  }
0x95: {  	_ =	strace s4  }
0x96: {  	s4 =	sld [smem:$0x3FFD];
	_ =	sdelay $0x3  }
0x97: {  	_ =	strace s4  }
0x98: {  	_ =	strace $0x8FFFFFFF  }
0x99: {  	s19 =	sld [smem:$0x3FDB];
	_ =	sdelay $0x1  }
0x9a: {  	s5 =	simm.s32 $_scs_section_size  }
0x9b: {  	s6 =	simm.s32 $_size__tile_overlayer_lowered;
	s7 =	simm.s32 $_tile_overlayer_lowered  }
0x9c: {  	s22 =	simm.s32 $0x1BFF;
	s21 =	sshll.u32 s7, $0x1;
	s4 =	sadd.s32 s5, s19  }
0x9d: {  	s8 =	simm.s32 $0x0;
	s20 =	sshll.u32 s6, $0x1;
	s6 =	sadd.s32 s21, s4  }
0x9e: {  	[timem:s8], [sflag:s22] =	dma.local [hbm:s6], s20  }
0x9f: {  	_ =	swait.ge [sflag:s22], s20  }
0xa0: {  	s5 =	ssub.s32 $0x0, s20;
	[sflag:s22] =	ssyncset.done $0x0  }
0xa1: {  	[sflag:s22] =	ssyncadd.s32 s5;
	_ =	sdelay $0x1  }
0xa2: {  	s23 =	simm.s32 $0x1B8B  }
0xa3: {  	_ =	swait.ge [sflag:s23], $0x1  }
0xa4: {  	[sflag:s23] =	ssyncset.done $0x0  }
0xa5: {  	s25 =	simm.s32 $0x1B8E;
	s24 =	sld [smem:$0x3FFE];
	[sflag:s23] =	ssyncadd.s32 $0xFFFFFFFF  }
0xa6: {  	s26 =	simm.s32 $execute0_lowered;
	[smem:$0x3FD2] =	sst s25  }
0xa7: {  	s6 =	sshll.u32 s26, $0x1;
	_ =	strace $0x80000046;
	[dreg:$0x1] =	wrdreg $0xFFFFFFFF  }
0xa8: {  	s28 =	simm.s32 $_size_execute0_lowered;
	s4 =	sadd.s32 s4, s6;
	[dreg:$0x0] =	wrdreg $0x0  }
0xa9: {  	s6 =	sshll.u32 s28, $0x1;
	[dreg:$0x2] =	wrdreg s4  }
0xaa: {  	[dreg:$0x3] =	wrdreg s6  }
0xab: {  	[dreg:$0x4] =	wrdreg $0xC0  }
0xac: {  	_ =	task [dreg:s8], $0x5FFFF  }
0xad: {  	[dreg:$0x1] =	wrdreg $0xFFFFFFFF  }
0xae: {  	[dreg:$0x0] =	wrdreg $0x60  }
0xaf: {  	[dreg:$0x2] =	wrdreg s2  }
0xb0: {  	[dreg:$0x3] =	wrdreg s24  }
0xb1: {  	[dreg:$0x4] =	wrdreg s18  }
0xb2: {  	[dreg:$0x5] =	wrdreg $0x9  }
0xb3: {  	_ =	task.clear_ibuf [dreg:s8], $0x6FFFF;
	_ =	strace $0x90000046  }
0xb4: {  	s29 =	simm.s32 $0x9;
	_ =	strace $0x80000048  }
0xb5: {  	_ =	swait.ge [sflag:s29], $0x1  }
0xb6: {  	[sflag:s29] =	ssyncadd.s32 $0xFFFFFFFF  }
0xb7: {  	_ =	strace $0x90000048  }
0xb8: {  	_ =	sfence  }
0xb9: {  	s30 =	sld [smem:$0x0];
	_ =	sdelay $0x2  }
0xba: {  	s31 =	sshll.u32 s1, $0xD;
	s1 =	sshrl.u32 s1, $0x2  }
0xbb: {  	s3 =	sand.u32 $0x4000, s31;
	s1 =	sadd.s32 s1, s30  }
0xbc: {  	s0 =	sor.u32 s3, s0;
	s1 =	sshll.u32 s1, $0x11  }
0xbd: {  	s0 =	sor.u32 s1, s0  }
0xbe: {  	s0 =	sadd.s32 $0x8F2B, s0  }
0xbf: {  	[sflag:s0] =	ssyncadd.remote.s32 $0x1  }
0xc0: {  	_ =	sfence.sel $0xFFFF  }
0xc1: {  	[dreg:$0x0] =	wrdreg $0xFFFFFFFF;
	(pc) =	sbr.abs _section_cstart, $3  }
0xc2: {  	[dreg:$0x1] =	wrdreg $0xFFFFFFFF  }
0xc3: {  	_ =	task.clear_ibuf [dreg:s8], $0x2FFFF;
	_ =	strace $0x9FFFFFFF  }
0xc4: {  	(tm) =	ssettm $0x7FFFFFFF  }
0xc5: {  	_ =	shalt  }
tec
execute0_lowered:
.L_overlay_start_1:
0x0: {  	(tag) =	ssettag $0x1  }
0x1: {  	s1 =	rddreg [dreg:$0x0]  }
0x2: {  	s2 =	srdreg.scid;
	s4 =	rddreg [dreg:$0x1]  }
0x3: {  	s0 =	stileid.u32;
	s6 =	rddreg [dreg:$0x2];
	s3 =	simm.s32 $0x0  }
0x4: {  	s11 =	simm.s32 $0xB;
	s12 =	simm.s32 $0x80;
	s13 =	simm.s32 $0x6400  }
0x5: {  	s14 =	simm.s32 $0xA400;
	s15 =	simm.s32 $0xE400;
	s16 =	simm.s32 $0x12400  }
0x6: {  	s17 =	simm.s32 $0x16400;
	s18 =	simm.s32 $0x1;
	s19 =	simm.s32 $0x2  }
0x7: {  	s20 =	simm.s32 $0x3;
	s21 =	simm.s32 $0x4;
	s22 =	simm.s32 $0x5  }
0x8: {  	s23 =	simm.s32 $0x6;
	s5 =	sand.u32 $0x1, s2;
	s31 =	sshll.u32 s0, $0x1  }
0x9: {  	s24 =	simm.s32 $0x7;
	s25 =	simm.s32 $0x8;
	s7 =	sor.u32 s5, s31  }
0xa: {  	s26 =	simm.s32 $0x9;
	s28 =	simm.s32 $0xA;
	s8 =	smul.u32 $0xC80, s7  }
0xb: {  	[smem:$0x7FF] =	sst s3;
	s5 =	ssub.s32 $0x2, s5;
	s7 =	smul.u32 $0x64000, s7  }
0xc: {  	s29 =	simm.s32 $0x0;
	_ =	strace $0x80000047;
	s9 =	sshrl.u32 s5, $0x1  }
0xd: {  	s10 =	ssub.s32 s5, s9;
	s8 =	sadd.s32 s8, s4;
	s4 =	sadd.s32 s6, s7  }
0xe: {  	s10 =	smax.u32 s10, $0x1;
	s5 =	sadd.s32 $0x400, s8;
	s6 =	sadd.s32 $0x800, s4  }
0xf: {  	s7 =	sadd.s32 $0x1000, s4;
	s8 =	sadd.s32 $0x1800, s4;
	s9 =	sadd.s32 $0x2000, s4  }
.LBB2_1:
0x10: {  	[tilespmem:s3], [sflag:$0xB] =	stream.linear.gather [hbm4b:s5+s3], $0x6400, $0x38;
	[tilespmem:$0x1A400] =	vst v63  }
0x11: {  	_ =	swait.ge [sflag:s11], $0x6400  }
0x12: {  	[sflag:s11] =	ssyncset.done $0x0  }
0x13: {  	s30 =	simm.s32 $0x0;
	[sflag:s11] =	ssyncadd.s32 $0xFFFF9C00  }
0x14: {  	[tilespmem:s13], [sflag:$0x1] =	stream.indirect.gather [hbm4b:s1+s12], $0x80, s30, s12, $0xb8;
	[tilespmem:$0x1A400] =	vst v63  }
0x15: {  	s30 =	simm.s32 $0x80  }
0x16: {  	[tilespmem:s14], [sflag:$0x2] =	stream.indirect.gather [hbm4b:s1+s12], $0x80, s30, s12, $0xb8;
	[tilespmem:$0x1A400] =	vst v63  }
0x17: {  	s30 =	simm.s32 $0x100  }
0x18: {  	[tilespmem:s15], [sflag:$0x3] =	stream.indirect.gather [hbm4b:s1+s12], $0x80, s30, s12, $0xb8;
	[tilespmem:$0x1A400] =	vst v63  }
0x19: {  	s30 =	simm.s32 $0x180  }
0x1a: {  	[tilespmem:s16], [sflag:$0x4] =	stream.indirect.gather [hbm4b:s1+s12], $0x80, s30, s12, $0xb8;
	[tilespmem:$0x1A400] =	vst v63  }
0x1b: {  	s30 =	simm.s32 $0x200  }
0x1c: {  	[tilespmem:s17], [sflag:$0x5] =	stream.indirect.gather [hbm4b:s1+s12], $0x80, s30, s12, $0xb8;
	[tilespmem:$0x1A400] =	vst v63  }
0x1d: {  	_ =	swait.ge [sflag:s18], $0x4000  }
0x1e: {  	[sflag:s18] =	ssyncset.done $0x0  }
0x1f: {  	[sflag:s18] =	ssyncadd.s32 $0xFFFFC000  }
0x20: {  	_ =	swait.ge [sflag:s19], $0x4000  }
0x21: {  	[sflag:s19] =	ssyncset.done $0x0  }
0x22: {  	[sflag:s19] =	ssyncadd.s32 $0xFFFFC000  }
0x23: {  	_ =	swait.ge [sflag:s20], $0x4000  }
0x24: {  	[sflag:s20] =	ssyncset.done $0x0  }
0x25: {  	[sflag:s20] =	ssyncadd.s32 $0xFFFFC000  }
0x26: {  	_ =	swait.ge [sflag:s21], $0x4000  }
0x27: {  	[sflag:s21] =	ssyncset.done $0x0  }
0x28: {  	[sflag:s21] =	ssyncadd.s32 $0xFFFFC000  }
0x29: {  	_ =	swait.ge [sflag:s22], $0x4000  }
0x2a: {  	s31 =	simm.s32 $0x1400;
	s30 =	simm.s32 $0xA00;
	[sflag:s22] =	ssyncset.done $0x0  }
.LBB2_2:
0x2b: {  	s2 =	sshra.s32 s30, $0x2  }
0x2c: {  	[sflag:s22] =	ssyncadd.s32 $0xFFFFC000;
	s30 =	smov.u32 s31;
	s0 =	sadd.s32 $0xA00, s31  }
0x2d: {  	[tilespmem:s13], [sflag:$0x1] =	stream.indirect.gather [hbm4b:s1+s12], $0x80, s2, s12, $0xb8;
	[tilespmem:$0x1A400] =	vst v63  }
0x2e: {  	p0 =	sne.s32 s31, $0x18600;
	s31 =	sadd.s32 $0x80, s2  }
0x2f: {  	[tilespmem:s14], [sflag:$0x2] =	stream.indirect.gather [hbm4b:s1+s12], $0x80, s31, s12, $0xb8;
	[tilespmem:$0x1A400] =	vst v63  }
0x30: {  	s31 =	sadd.s32 $0x100, s2  }
0x31: {  	[tilespmem:s15], [sflag:$0x3] =	stream.indirect.gather [hbm4b:s1+s12], $0x80, s31, s12, $0xb8;
	[tilespmem:$0x1A400] =	vst v63  }
0x32: {  	s31 =	sadd.s32 $0x180, s2  }
0x33: {  	[tilespmem:s16], [sflag:$0x4] =	stream.indirect.gather [hbm4b:s1+s12], $0x80, s31, s12, $0xb8;
	[tilespmem:$0x1A400] =	vst v63  }
0x34: {  	s2 =	sadd.s32 $0x200, s2  }
0x35: {  	[tilespmem:s17], [sflag:$0x5] =	stream.indirect.gather [hbm4b:s1+s12], $0x80, s2, s12, $0xb8;
	[tilespmem:$0x1A400] =	vst v63  }
0x36: {  	_ =	swait.ge [sflag:s18], $0x4000  }
0x37: {  	[sflag:s18] =	ssyncset.done $0x0  }
0x38: {  	[sflag:s18] =	ssyncadd.s32 $0xFFFFC000  }
0x39: {  	_ =	swait.ge [sflag:s19], $0x4000  }
0x3a: {  	[sflag:s19] =	ssyncset.done $0x0  }
0x3b: {  	[sflag:s19] =	ssyncadd.s32 $0xFFFFC000  }
0x3c: {  	_ =	swait.ge [sflag:s20], $0x4000  }
0x3d: {  	[sflag:s20] =	ssyncset.done $0x0  }
0x3e: {  	[sflag:s20] =	ssyncadd.s32 $0xFFFFC000  }
.Ltmp0:
0x3f: {  	_ =	swait.ge [sflag:s21], $0x4000;
	(pc) =	sbr.rel @p0 .LBB2_2-.Ltmp0, $4  }
0x40: {  	[sflag:s21] =	ssyncset.done $0x0  }
0x41: {  	[sflag:s21] =	ssyncadd.s32 $0xFFFFC000  }
0x42: {  	_ =	swait.ge [sflag:s22], $0x4000  }
0x43: {  	s31 =	smov.u32 s0;
	[sflag:s22] =	ssyncset.done $0x0  }
0x44: {  	s0 =	sshra.s32 s30, $0x2;
	[sflag:s22] =	ssyncadd.s32 $0xFFFFC000  }
0x45: {  	[tilespmem:s13], [sflag:$0x1] =	stream.indirect.gather [hbm4b:s1+s12], $0x80, s0, s12, $0xb8;
	[tilespmem:$0x1A400] =	vst v63  }
0x46: {  	s2 =	sadd.s32 $0x80, s0  }
0x47: {  	[tilespmem:s14], [sflag:$0x2] =	stream.indirect.gather [hbm4b:s1+s12], $0x80, s2, s12, $0xb8;
	[tilespmem:$0x1A400] =	vst v63  }
0x48: {  	s30 =	sadd.s32 $0x100, s0  }
0x49: {  	[tilespmem:s15], [sflag:$0x3] =	stream.indirect.gather [hbm4b:s1+s12], $0x80, s30, s12, $0xb8;
	[tilespmem:$0x1A400] =	vst v63  }
0x4a: {  	s31 =	sadd.s32 $0x180, s0  }
0x4b: {  	[tilespmem:s16], [sflag:$0x4] =	stream.indirect.gather [hbm4b:s1+s12], $0x80, s31, s12, $0xb8;
	[tilespmem:$0x1A400] =	vst v63  }
0x4c: {  	s0 =	sadd.s32 $0x200, s0  }
0x4d: {  	[tilespmem:s17], [sflag:$0x5] =	stream.indirect.gather [hbm4b:s1+s12], $0x80, s0, s12, $0xb8;
	[tilespmem:$0x1A400] =	vst v63  }
0x4e: {  	_ =	swait.ge [sflag:s18], $0x4000  }
0x4f: {  	[sflag:s18] =	ssyncset.done $0x0  }
0x50: {  	[sflag:s18] =	ssyncadd.s32 $0xFFFFC000  }
0x51: {  	_ =	swait.ge [sflag:s19], $0x4000  }
0x52: {  	[sflag:s19] =	ssyncset.done $0x0  }
0x53: {  	[sflag:s19] =	ssyncadd.s32 $0xFFFFC000  }
0x54: {  	_ =	swait.ge [sflag:s20], $0x4000  }
0x55: {  	[sflag:s20] =	ssyncset.done $0x0  }
0x56: {  	[sflag:s20] =	ssyncadd.s32 $0xFFFFC000  }
0x57: {  	_ =	swait.ge [sflag:s21], $0x4000  }
0x58: {  	[sflag:s21] =	ssyncset.done $0x0  }
0x59: {  	[sflag:s21] =	ssyncadd.s32 $0xFFFFC000  }
0x5a: {  	_ =	swait.ge [sflag:s22], $0x4000  }
0x5b: {  	[sflag:s22] =	ssyncset.done $0x0  }
0x5c: {  	[sflag:s22] =	ssyncadd.s32 $0xFFFFC000  }
0x5d: {  	[hbm4b:s4+s3] =	stream.linear.scatter [tilespmem:s13], [sflag:$0x6], $0x4000, $0x38;
	[tilespmem:$0x1A400] =	vst v63  }
0x5e: {  	_ = 	snop  }
0x5f: {  	[hbm4b:s6+s3] =	stream.linear.scatter [tilespmem:s14], [sflag:$0x7], $0x4000, $0x38;
	[tilespmem:$0x1A400] =	vst v63  }
0x60: {  	_ = 	snop  }
0x61: {  	[hbm4b:s7+s3] =	stream.linear.scatter [tilespmem:s15], [sflag:$0x8], $0x4000, $0x38;
	[tilespmem:$0x1A400] =	vst v63  }
0x62: {  	_ = 	snop  }
0x63: {  	[hbm4b:s8+s3] =	stream.linear.scatter [tilespmem:s16], [sflag:$0x9], $0x4000, $0x38;
	[tilespmem:$0x1A400] =	vst v63  }
0x64: {  	_ = 	snop  }
0x65: {  	[hbm4b:s9+s3] =	stream.linear.scatter [tilespmem:s17], [sflag:$0xA], $0x4000, $0x38;
	[tilespmem:$0x1A400] =	vst v63  }
0x66: {  	_ =	swait.ge [sflag:s23], $0x4000  }
0x67: {  	[sflag:s23] =	ssyncset.done $0x0  }
0x68: {  	[sflag:s23] =	ssyncadd.s32 $0xFFFFC000  }
0x69: {  	_ =	swait.ge [sflag:s24], $0x4000  }
0x6a: {  	[sflag:s24] =	ssyncset.done $0x0  }
0x6b: {  	[sflag:s24] =	ssyncadd.s32 $0xFFFFC000  }
0x6c: {  	_ =	swait.ge [sflag:s25], $0x4000  }
0x6d: {  	[sflag:s25] =	ssyncset.done $0x0  }
0x6e: {  	s29 =	sadd.s32 $0x1, s29;
	[sflag:s25] =	ssyncadd.s32 $0xFFFFC000  }
0x6f: {  	p0 =	sne.s32 s29, s10;
	_ =	swait.ge [sflag:s26], $0x4000  }
.Ltmp1:
0x70: {  	[sflag:s26] =	ssyncset.done $0x0;
	(pc) =	sbr.rel @p0 .LBB2_1-.Ltmp1, $4  }
0x71: {  	[sflag:s26] =	ssyncadd.s32 $0xFFFFC000  }
0x72: {  	_ =	swait.ge [sflag:s28], $0x4000  }
0x73: {  	[sflag:s28] =	ssyncset.done $0x0  }
0x74: {  	[sflag:s28] =	ssyncadd.s32 $0xFFFFC000  }
0x75: {  	_ =	sfence.sel $0x180000  }
0x76: {  	[bflag:$0x0] =	sbarrier.arrive $0xFFFF  }
0x77: {  	_ =	strace $0x90000047  }
0x78: {  	s0 =	stileid.u32;
	[bflag:$0x2] =	sbarrier.arrive $0xFFFF  }
0x79: {  	p0 =	sne.s32 s0, $0x0;
	s0 =	rddreg [dreg:$0x3]  }
0x7a: {  	s0 =	sadd.s32 @!p0 $0x100000, s0  }
0x7b: {  	[sflag:s0] =	ssyncadd.tile.s32 @!p0 $0x1;
	_ =	shalt  }
.Lfunc_end2:
_tile_overlayer_lowered:
.L_overlay_start_2:
0x7c: {  	(tag) =	ssettag $0x2  }
0x7d: {  	s0 =	rddreg [dreg:$0x0];
	s2 =	stileid.u32  }
0x7e: {  	s1 =	rddreg [dreg:$0x1];
	p0 =	sne.s32 s2, $0x0  }
0x7f: {  	s3 =	rddreg [dreg:$0x2];
	[bflag:$0x3] =	sbarrier.arrive $0xFFFF;
	s2 =	simm.s32 @!p0 $0x1C0B  }
0x80: {  	[timem:s3], [sflag:s2] =	dma.local @!p0 [hbm:s0], s1  }
0x81: {  	s0 =	simm.s32 @!p0 $0xB  }
0x82: {  	_ =	swait.ge @!p0 [sflag:s0], s1  }
0x83: {  	s1 =	ssub.s32 @!p0 $0x0, s1;
	[sflag:s0] =	ssyncset.done @!p0 $0x0  }
0x84: {  	[sflag:s0] =	ssyncadd.s32 @!p0 s1  }
0x85: {  	[bflag:$0x3] =	sbarrier.arrive $0xFFFF  }
0x86: {  	_ =	shalt  }

</sc_bundles>
